<compile_context>
chip_gen: v7x
topology: tpu7x:2x2x1
jax: 0.10.2.dev20260603
libtpu: 0.0.44.dev20260713+nightly
codegen_flags: <defaults>
</compile_context>

<pallas_src>
import functools

import jax
import jax.numpy as jnp
from jax import lax
from jax.experimental import pallas as pl
from jax.experimental.pallas import tpu as pltpu
from jax.experimental.pallas import tpu_sc as plsc

NC = 2
NS = 16
CHUNK = 128
F = 128
FW = 144
IB = 2

def _sc_segment_sum(n_pad, nb, feat, idx5, zagg):
    rows_per_tile = n_pad // NS

    mesh = plsc.VectorSubcoreMesh(
        core_axis_name="c", subcore_axis_name="s",
        num_cores=NC, num_subcores=NS)

    @functools.partial(
        pl.kernel,
        out_type=[
            jax.ShapeDtypeStruct((NC, n_pad, FW), jnp.float32),
        ],
        mesh=mesh,
        scratch_types=[
            pltpu.VMEM((IB, 2, CHUNK), jnp.int32),
            pltpu.VMEM((IB, 2, CHUNK), jnp.int32),
            pltpu.VMEM((CHUNK, FW), jnp.float32),
            pltpu.VMEM((CHUNK, FW), jnp.float32),
            pltpu.VMEM_SHARED((n_pad, FW), jnp.float32),
            pltpu.SemaphoreType.DMA,
            pltpu.SemaphoreType.DMA,
            pltpu.SemaphoreType.DMA,
            pltpu.SemaphoreType.DMA,
            pltpu.SemaphoreType.DMA,
            pltpu.SemaphoreType.DMA,
        ],
        compiler_params=pltpu.CompilerParams(use_tc_tiling_on_sc=False),
    )
    def sc_fn(feat_hbm, idx_hbm, zagg_hbm,
              agg_out,
              ring0, ring1, rowbuf0, rowbuf1,
              agg_sp, gsem0, gsem1, ssem, isem0, isem1, zsem):
        c = lax.axis_index("c")
        s = lax.axis_index("s")
        base = s * rows_per_tile

        pltpu.async_copy(idx_hbm.at[c, s, 0], ring0, isem0)
        pltpu.async_copy(idx_hbm.at[c, s, 1], ring1, isem1)
        pltpu.make_async_copy(idx_hbm.at[c, s, 0], ring0, isem0).wait()
        pltpu.async_copy(feat_hbm.at[ring0.at[0, 0]], rowbuf0, gsem0)
        pltpu.async_copy(feat_hbm.at[ring0.at[1, 0]], rowbuf1, gsem1)
        pltpu.async_copy(zagg_hbm, agg_sp.at[pl.ds(base, rows_per_tile)],
                         zsem)
        pltpu.make_async_copy(zagg_hbm, agg_sp.at[pl.ds(base, rows_per_tile)],
                              zsem).wait()
        plsc.subcore_barrier()

        def block(ib, ring, nring, isem, nisem):
            for jj in range(IB):
                buf, gsem = (rowbuf0, gsem0) if jj % 2 == 0 else (rowbuf1,
                                                                  gsem1)
                pltpu.make_async_copy(feat_hbm.at[ring.at[jj, 0]],
                                      buf, gsem).wait()
                pltpu.async_copy(buf, agg_sp.at[ring.at[jj, 1]], ssem,
                                 add=True)
                pltpu.make_async_copy(buf, agg_sp.at[ring.at[jj, 1]],
                                      ssem).wait()
                if jj + 2 < IB:
                    pltpu.async_copy(feat_hbm.at[ring.at[jj + 2, 0]],
                                     buf, gsem)
                elif jj + 2 == IB:
                    @pl.when(ib + 1 < nb)
                    def _():
                        pltpu.make_async_copy(idx_hbm.at[c, s, ib + 1],
                                              nring, nisem).wait()
                        pltpu.async_copy(feat_hbm.at[nring.at[0, 0]],
                                         buf, gsem)
                else:
                    @pl.when(ib + 1 < nb)
                    def _():
                        pltpu.async_copy(feat_hbm.at[nring.at[1, 0]],
                                         buf, gsem)

            @pl.when(ib + 2 < nb)
            def _():
                pltpu.async_copy(idx_hbm.at[c, s, ib + 2], ring, isem)

        def body(g, carry):
            ib = g * 2
            block(ib, ring0, ring1, isem0, isem1)
            block(ib + 1, ring1, ring0, isem1, isem0)
            return carry

        lax.fori_loop(0, nb // 2, body, 0)

        plsc.subcore_barrier()

        pltpu.async_copy(agg_sp.at[pl.ds(base, rows_per_tile)],
                         agg_out.at[c, pl.ds(base, rows_per_tile)], zsem)
        pltpu.make_async_copy(agg_sp.at[pl.ds(base, rows_per_tile)],
                              agg_out.at[c, pl.ds(base, rows_per_tile)],
                              zsem).wait()

    return sc_fn(feat, idx5, zagg)


def _tc_epilogue(n, n_pad, agg0, agg1, W, b2d):
    blk = 1024
    dn = (((1,), (1,)), ((), ()))

    def body(a0, a1, w, bv, o):
        s = a0[...] + a1[...]
        o[...] = (
            lax.dot_general(s[:, :F], w[...], dn,
                            preferred_element_type=jnp.float32)
            + s[:, F:F + 1] * bv[...])

    return pl.pallas_call(
        body,
        grid=(n_pad // blk,),
        in_specs=[
            pl.BlockSpec((blk, FW), lambda i: (i, 0)),
            pl.BlockSpec((blk, FW), lambda i: (i, 0)),
            pl.BlockSpec((128, F), lambda i: (0, 0)),
            pl.BlockSpec((1, 128), lambda i: (0, 0)),
        ],
        out_specs=pl.BlockSpec((blk, 128), lambda i: (i, 0)),
        out_shape=jax.ShapeDtypeStruct((n, 128), jnp.float32),
    )(agg0, agg1, W, b2d)


def kernel(feat, edge_index, W, b):
    n = feat.shape[0]
    e = edge_index.shape[1]
    n_pad = ((n + 2047) // 2048) * 2048
    gsz = 2 * IB * CHUNK
    epw = gsz * (-(-e // (NC * NS * gsz)))
    e_pad = NC * NS * epw
    nb = epw // (IB * CHUNK)

    feat2 = jnp.concatenate(
        [feat.astype(jnp.float32),
         jnp.ones((n, FW - F), jnp.float32)], axis=1)

    src = edge_index[0].astype(jnp.int32)
    dst = edge_index[1].astype(jnp.int32)
    pad = jnp.arange(e_pad - e, dtype=jnp.int32)
    src5 = jnp.concatenate([src, pad % n]).reshape(NC, NS, nb, IB, 1, CHUNK)
    dst5 = jnp.concatenate(
        [dst, n + pad % (n_pad - n)]).reshape(NC, NS, nb, IB, 1, CHUNK)
    idx5 = jnp.concatenate([src5, dst5], axis=4)

    zagg = jnp.zeros((n_pad // NS, FW), jnp.float32)

    (agg,) = _sc_segment_sum(n_pad, nb, feat2, idx5, zagg)
    return _tc_epilogue(n, n_pad, agg[0], agg[1], W, b.reshape(1, -1))

# --- scband reference (transcript-rebuilt; emitter-appended) ---
"""Pipeline reference for scband-gnn-85366769975686 (READ-ONLY COPY).

The authoritative reference and input builder live on the scoring server;
editing this copy changes nothing except your own understanding.
"""

import jax, jax.numpy as jnp
import numpy as np

N_NODES = 10000
N_EDGES = 320000
IN_FEAT = 128
OUT_FEAT = 128


def setup_inputs(seed: int = 0) -> dict:
    key = jax.random.key(seed)
    k1, k2, k3, k4 = jax.random.split(key, 4)
    feat = jax.random.normal(k1, (N_NODES, IN_FEAT), dtype=jnp.float32)
    edge_index = jax.random.randint(k2, (2, N_EDGES), 0, N_NODES, dtype=jnp.int64)
    # nn.Linear(in_feat, out_feat) parameters for the single GNNLayer
    bound = 1.0 / np.sqrt(IN_FEAT)
    W = jax.random.uniform(k3, (OUT_FEAT, IN_FEAT), dtype=jnp.float32, minval=-bound, maxval=bound)
    b = jax.random.uniform(k4, (OUT_FEAT,), dtype=jnp.float32, minval=-bound, maxval=bound)
    return {"feat": feat, "edge_index": edge_index, "W": W, "b": b}


def reference(feat, edge_index, W, b):
    # One GNNLayer (num_layers=1): DGL send_and_recv along all edges with the
    # linear layer as message function, default sum reduce at dst nodes.
    src = edge_index[0]
    dst = edge_index[1]
    # message: apply Linear to source-node features gathered along edges
    msgs = jnp.take(feat, src, axis=0) @ W.T + b  # [E, out_feat]
    # recv: sum-aggregate messages at destination nodes (scatter-add)
    out = jax.ops.segment_sum(msgs, dst, num_segments=feat.shape[0])  # [N, out_feat]
    return out


if False:  # reference __main__ guard neutralized (emitter)
    inp = setup_inputs()
    out = reference(**inp)
    print(out.shape, out.dtype)

if __name__ == "__main__":
    import jax
    _d = setup_inputs()
    print(jax.jit(kernel)(*tuple(_d.values())))

</pallas_src>

<mosaic_0001>
#map = affine_map<(d0, d1) -> (0, 0)>
#map1 = affine_map<(d0, d1) -> (0, 0, 0, 0, 0, 0)>
#map2 = affine_map<(d0, d1) -> (0, 0, 0)>
module attributes {stable_mosaic.version = 14 : i64} {
  func.func @sc_fn(%arg0: i32, %arg1: i32, %arg2: memref<10000x144xf32, #tpu.memory_space<hbm>>, %arg3: memref<2x16x40x2x2x128xi32, #tpu.memory_space<hbm>>, %arg4: memref<640x144xf32, #tpu.memory_space<hbm>>, %arg5: memref<2x10240x144xf32, #tpu.memory_space<hbm>>, %arg6: memref<2x2x128xi32, #tpu.memory_space<vmem>>, %arg7: memref<2x2x128xi32, #tpu.memory_space<vmem>>, %arg8: memref<128x144xf32, #tpu.memory_space<vmem>>, %arg9: memref<128x144xf32, #tpu.memory_space<vmem>>, %arg10: memref<10240x144xf32, #tpu.memory_space<vmem_shared>>, %arg11: memref<!tpu.dma_semaphore, #tpu.memory_space<semaphore_mem>>, %arg12: memref<!tpu.dma_semaphore, #tpu.memory_space<semaphore_mem>>, %arg13: memref<!tpu.dma_semaphore, #tpu.memory_space<semaphore_mem>>, %arg14: memref<!tpu.dma_semaphore, #tpu.memory_space<semaphore_mem>>, %arg15: memref<!tpu.dma_semaphore, #tpu.memory_space<semaphore_mem>>, %arg16: memref<!tpu.dma_semaphore, #tpu.memory_space<semaphore_mem>>) attributes {dimension_semantics = [#tpu.dimension_semantics<core_parallel>, #tpu.dimension_semantics<subcore_parallel>], iteration_bounds = array<i64: 2, 16>, scalar_prefetch = 0 : i64, scratch_operands = 11 : i64, tpu.core_type = #tpu.core_type<sc_vector_subcore>, window_params = [{transform_indices = #map}, {transform_indices = #map1}, {transform_indices = #map}, {transform_indices = #map2}]} {
    %mul3A = arith.constant 640 : i32
    %mul3A_0 = arith.muli %arg1, %mul3A : i32
    %dma_start3A = arith.constant 0 : i32
    %dma_start3A_1 = arith.constant 0 : i32
    %dma_start3A_2 = arith.constant 0 : i32
    %dma_start3A_3 = arith.constant 0 : i32
    %dma_start3A_4 = tpu.memref_slice %arg3[%arg0, %arg1, %dma_start3A, %dma_start3A_1, %dma_start3A_2, %dma_start3A_3] : memref<2x16x40x2x2x128xi32, #tpu.memory_space<hbm>> -> memref<1x1x1x2x2x128xi32, #tpu.memory_space<hbm>>
    %dma_start3A_5 = tpu.memref_squeeze %dma_start3A_4 : memref<1x1x1x2x2x128xi32, #tpu.memory_space<hbm>> -> memref<2x2x128xi32, #tpu.memory_space<hbm>>
    %dma_start3A_6 = arith.constant 0 : i32
    %dma_start3A_7 = arith.constant 0 : i32
    %dma_start3A_8 = arith.constant 0 : i32
    %dma_start3A_9 = tpu.memref_slice %arg3[%arg0, %arg1, %dma_start3A, %dma_start3A_6, %dma_start3A_7, %dma_start3A_8] : memref<2x16x40x2x2x128xi32, #tpu.memory_space<hbm>> -> memref<1x1x1x2x2x128xi32, #tpu.memory_space<hbm>>
    %dma_start3A_10 = tpu.memref_squeeze %dma_start3A_9 : memref<1x1x1x2x2x128xi32, #tpu.memory_space<hbm>> -> memref<2x2x128xi32, #tpu.memory_space<hbm>>
    tpu.enqueue_dma source(%dma_start3A_10 : memref<2x2x128xi32, #tpu.memory_space<hbm>>) target(%arg6 : memref<2x2x128xi32, #tpu.memory_space<vmem>>) target_semaphore(%arg14 : memref<!tpu.dma_semaphore, #tpu.memory_space<semaphore_mem>>)
    %dma_start3A_11 = arith.constant 1 : i32
    %dma_start3A_12 = arith.constant 0 : i32
    %dma_start3A_13 = arith.constant 0 : i32
    %dma_start3A_14 = arith.constant 0 : i32
    %dma_start3A_15 = tpu.memref_slice %arg3[%arg0, %arg1, %dma_start3A_11, %dma_start3A_12, %dma_start3A_13, %dma_start3A_14] : memref<2x16x40x2x2x128xi32, #tpu.memory_space<hbm>> -> memref<1x1x1x2x2x128xi32, #tpu.memory_space<hbm>>
    %dma_start3A_16 = tpu.memref_squeeze %dma_start3A_15 : memref<1x1x1x2x2x128xi32, #tpu.memory_space<hbm>> -> memref<2x2x128xi32, #tpu.memory_space<hbm>>
    %dma_start3A_17 = arith.constant 0 : i32
    %dma_start3A_18 = arith.constant 0 : i32
    %dma_start3A_19 = arith.constant 0 : i32
    %dma_start3A_20 = tpu.memref_slice %arg3[%arg0, %arg1, %dma_start3A_11, %dma_start3A_17, %dma_start3A_18, %dma_start3A_19] : memref<2x16x40x2x2x128xi32, #tpu.memory_space<hbm>> -> memref<1x1x1x2x2x128xi32, #tpu.memory_space<hbm>>
    %dma_start3A_21 = tpu.memref_squeeze %dma_start3A_20 : memref<1x1x1x2x2x128xi32, #tpu.memory_space<hbm>> -> memref<2x2x128xi32, #tpu.memory_space<hbm>>
    tpu.enqueue_dma source(%dma_start3A_21 : memref<2x2x128xi32, #tpu.memory_space<hbm>>) target(%arg7 : memref<2x2x128xi32, #tpu.memory_space<vmem>>) target_semaphore(%arg15 : memref<!tpu.dma_semaphore, #tpu.memory_space<semaphore_mem>>)
    %dma_wait3A = arith.constant 0 : i32
    %dma_wait3A_22 = arith.constant 0 : i32
    %dma_wait3A_23 = arith.constant 0 : i32
    %dma_wait3A_24 = arith.constant 0 : i32
    %dma_wait3A_25 = tpu.memref_slice %arg3[%arg0, %arg1, %dma_wait3A, %dma_wait3A_22, %dma_wait3A_23, %dma_wait3A_24] : memref<2x16x40x2x2x128xi32, #tpu.memory_space<hbm>> -> memref<1x1x1x2x2x128xi32, #tpu.memory_space<hbm>>
    %dma_wait3A_26 = tpu.memref_squeeze %dma_wait3A_25 : memref<1x1x1x2x2x128xi32, #tpu.memory_space<hbm>> -> memref<2x2x128xi32, #tpu.memory_space<hbm>>
    %dma_wait3A_27 = arith.constant 0 : i32
    %dma_wait3A_28 = arith.constant 0 : i32
    %dma_wait3A_29 = arith.constant 0 : i32
    %dma_wait3A_30 = tpu.memref_slice %arg3[%arg0, %arg1, %dma_wait3A, %dma_wait3A_27, %dma_wait3A_28, %dma_wait3A_29] : memref<2x16x40x2x2x128xi32, #tpu.memory_space<hbm>> -> memref<1x1x1x2x2x128xi32, #tpu.memory_space<hbm>>
    %dma_wait3A_31 = tpu.memref_squeeze %dma_wait3A_30 : memref<1x1x1x2x2x128xi32, #tpu.memory_space<hbm>> -> memref<2x2x128xi32, #tpu.memory_space<hbm>>
    tpu.wait_dma2 semaphore(%arg14 : memref<!tpu.dma_semaphore, #tpu.memory_space<semaphore_mem>>) src(%dma_wait3A_31 : memref<2x2x128xi32, #tpu.memory_space<hbm>>) dst(%arg6 : memref<2x2x128xi32, #tpu.memory_space<vmem>>)
    %dma_start3A_32 = arith.constant 0 : i32
    %dma_start3A_33 = arith.constant 0 : i32
    %dma_start3A_34 = arith.constant 0 : i32
    %dma_start3A_35 = tpu.memref_slice %arg6[%dma_start3A_32, %dma_start3A_33, %dma_start3A_34] : memref<2x2x128xi32, #tpu.memory_space<vmem>> -> memref<1x1x128xi32, #tpu.memory_space<vmem>>
    %dma_start3A_36 = tpu.memref_squeeze %dma_start3A_35 : memref<1x1x128xi32, #tpu.memory_space<vmem>> -> memref<128xi32, #tpu.memory_space<vmem>>
    %dma_start3A_37 = arith.constant 0 : i32
    %dma_start3A_38 = arith.constant 0 : i32
    %dma_start3A_39 = tpu.memref_slice %arg2[%dma_start3A_37, %dma_start3A_38] : memref<10000x144xf32, #tpu.memory_space<hbm>> -> memref<10000x144xf32, #tpu.memory_space<hbm>>
    tpu.enqueue_indirect_dma source(%dma_start3A_39 : memref<10000x144xf32, #tpu.memory_space<hbm>>) target(%arg8 : memref<128x144xf32, #tpu.memory_space<vmem>>) offsets(%dma_start3A_36 : memref<128xi32, #tpu.memory_space<vmem>>) semaphore(%arg11 : memref<!tpu.dma_semaphore, #tpu.memory_space<semaphore_mem>>)
    %dma_start3A_40 = arith.constant 1 : i32
    %dma_start3A_41 = arith.constant 0 : i32
    %dma_start3A_42 = arith.constant 0 : i32
    %dma_start3A_43 = tpu.memref_slice %arg6[%dma_start3A_40, %dma_start3A_41, %dma_start3A_42] : memref<2x2x128xi32, #tpu.memory_space<vmem>> -> memref<1x1x128xi32, #tpu.memory_space<vmem>>
    %dma_start3A_44 = tpu.memref_squeeze %dma_start3A_43 : memref<1x1x128xi32, #tpu.memory_space<vmem>> -> memref<128xi32, #tpu.memory_space<vmem>>
    %dma_start3A_45 = arith.constant 0 : i32
    %dma_start3A_46 = arith.constant 0 : i32
    %dma_start3A_47 = tpu.memref_slice %arg2[%dma_start3A_45, %dma_start3A_46] : memref<10000x144xf32, #tpu.memory_space<hbm>> -> memref<10000x144xf32, #tpu.memory_space<hbm>>
    tpu.enqueue_indirect_dma source(%dma_start3A_47 : memref<10000x144xf32, #tpu.memory_space<hbm>>) target(%arg9 : memref<128x144xf32, #tpu.memory_space<vmem>>) offsets(%dma_start3A_44 : memref<128xi32, #tpu.memory_space<vmem>>) semaphore(%arg12 : memref<!tpu.dma_semaphore, #tpu.memory_space<semaphore_mem>>)
    %dma_start3A_48 = arith.constant 0 : i32
    %dma_start3A_49 = tpu.memref_slice %arg10[%mul3A_0, %dma_start3A_48] : memref<10240x144xf32, #tpu.memory_space<vmem_shared>> -> memref<640x144xf32, #tpu.memory_space<vmem_shared>>
    tpu.enqueue_dma source(%arg4 : memref<640x144xf32, #tpu.memory_space<hbm>>) target(%dma_start3A_49 : memref<640x144xf32, #tpu.memory_space<vmem_shared>>) target_semaphore(%arg16 : memref<!tpu.dma_semaphore, #tpu.memory_space<semaphore_mem>>)
    %dma_wait3A_50 = arith.constant 0 : i32
    %dma_wait3A_51 = tpu.memref_slice %arg10[%mul3A_0, %dma_wait3A_50] : memref<10240x144xf32, #tpu.memory_space<vmem_shared>> -> memref<640x144xf32, #tpu.memory_space<vmem_shared>>
    tpu.wait_dma2 semaphore(%arg16 : memref<!tpu.dma_semaphore, #tpu.memory_space<semaphore_mem>>) src(%arg4 : memref<640x144xf32, #tpu.memory_space<hbm>>) dst(%dma_wait3A_51 : memref<640x144xf32, #tpu.memory_space<vmem_shared>>)
    %barrier3A = arith.constant 0 : index
    tpu.barrier barrier_id(%barrier3A)
    %scan3A = arith.constant 0 : i32
    %scan3A_52 = arith.constant 0 : i32
    %scan3A_53 = arith.constant 20 : i32
    %scan3A_54 = arith.addi %scan3A_52, %scan3A_53 : i32
    %scan3A_55 = arith.constant 1 : i32
    scf.for %scan3A_68 = %scan3A_52 to %scan3A_54 step %scan3A_55  : i32 {
      %mul3A_69 = arith.constant 2 : i32
      %mul3A_70 = arith.muli %scan3A_68, %mul3A_69 : i32
      %dma_wait3A_71 = arith.constant 0 : i32
      %dma_wait3A_72 = arith.constant 0 : i32
      %dma_wait3A_73 = arith.constant 0 : i32
      %dma_wait3A_74 = tpu.memref_slice %arg6[%dma_wait3A_71, %dma_wait3A_72, %dma_wait3A_73] : memref<2x2x128xi32, #tpu.memory_space<vmem>> -> memref<1x1x128xi32, #tpu.memory_space<vmem>>
      %dma_wait3A_75 = tpu.memref_squeeze %dma_wait3A_74 : memref<1x1x128xi32, #tpu.memory_space<vmem>> -> memref<128xi32, #tpu.memory_space<vmem>>
      %dma_wait3A_76 = arith.constant 0 : i32
      %dma_wait3A_77 = arith.constant 0 : i32
      %dma_wait3A_78 = tpu.memref_slice %arg2[%dma_wait3A_76, %dma_wait3A_77] : memref<10000x144xf32, #tpu.memory_space<hbm>> -> memref<10000x144xf32, #tpu.memory_space<hbm>>
      tpu.wait_indirect_dma semaphore(%arg11 : memref<!tpu.dma_semaphore, #tpu.memory_space<semaphore_mem>>) src(%dma_wait3A_78 : memref<10000x144xf32, #tpu.memory_space<hbm>>) dst(%arg8 : memref<128x144xf32, #tpu.memory_space<vmem>>)
      %dma_start3A_79 = arith.constant 0 : i32
      %dma_start3A_80 = arith.constant 1 : i32
      %dma_start3A_81 = arith.constant 0 : i32
      %dma_start3A_82 = tpu.memref_slice %arg6[%dma_start3A_79, %dma_start3A_80, %dma_start3A_81] : memref<2x2x128xi32, #tpu.memory_space<vmem>> -> memref<1x1x128xi32, #tpu.memory_space<vmem>>
      %dma_start3A_83 = tpu.memref_squeeze %dma_start3A_82 : memref<1x1x128xi32, #tpu.memory_space<vmem>> -> memref<128xi32, #tpu.memory_space<vmem>>
      %dma_start3A_84 = arith.constant 0 : i32
      %dma_start3A_85 = arith.constant 0 : i32
      %dma_start3A_86 = tpu.memref_slice %arg10[%dma_start3A_84, %dma_start3A_85] : memref<10240x144xf32, #tpu.memory_space<vmem_shared>> -> memref<10240x144xf32, #tpu.memory_space<vmem_shared>>
      tpu.enqueue_indirect_dma source(%arg8 : memref<128x144xf32, #tpu.memory_space<vmem>>) target(%dma_start3A_86 : memref<10240x144xf32, #tpu.memory_space<vmem_shared>>) offsets(%dma_start3A_83 : memref<128xi32, #tpu.memory_space<vmem>>) semaphore(%arg13 : memref<!tpu.dma_semaphore, #tpu.memory_space<semaphore_mem>>) {add = true}
      %dma_wait3A_87 = arith.constant 0 : i32
      %dma_wait3A_88 = arith.constant 1 : i32
      %dma_wait3A_89 = arith.constant 0 : i32
      %dma_wait3A_90 = tpu.memref_slice %arg6[%dma_wait3A_87, %dma_wait3A_88, %dma_wait3A_89] : memref<2x2x128xi32, #tpu.memory_space<vmem>> -> memref<1x1x128xi32, #tpu.memory_space<vmem>>
      %dma_wait3A_91 = tpu.memref_squeeze %dma_wait3A_90 : memref<1x1x128xi32, #tpu.memory_space<vmem>> -> memref<128xi32, #tpu.memory_space<vmem>>
      %dma_wait3A_92 = arith.constant 0 : i32
      %dma_wait3A_93 = arith.constant 0 : i32
      %dma_wait3A_94 = tpu.memref_slice %arg10[%dma_wait3A_92, %dma_wait3A_93] : memref<10240x144xf32, #tpu.memory_space<vmem_shared>> -> memref<10240x144xf32, #tpu.memory_space<vmem_shared>>
      tpu.wait_indirect_dma semaphore(%arg13 : memref<!tpu.dma_semaphore, #tpu.memory_space<semaphore_mem>>) src(%arg8 : memref<128x144xf32, #tpu.memory_space<vmem>>) dst(%dma_wait3A_94 : memref<10240x144xf32, #tpu.memory_space<vmem_shared>>)
      %add3A = arith.constant 1 : i32
      %add3A_95 = arith.addi %mul3A_70, %add3A : i32
      %lt3A = arith.constant 40 : i32
      %lt3A_96 = arith.cmpi slt, %add3A_95, %lt3A : i32
      %convert_element_type3A = arith.extui %lt3A_96 : i1 to i32
      %cond3A = arith.constant 0 : i32
      %cond3A_97 = arith.cmpi ne, %convert_element_type3A, %cond3A : i32
      scf.if %cond3A_97 {
        %add3A_207 = arith.constant 1 : i32
        %add3A_208 = arith.addi %mul3A_70, %add3A_207 : i32
        %dma_wait3A_209 = arith.constant 0 : i32
        %dma_wait3A_210 = arith.constant 0 : i32
        %dma_wait3A_211 = arith.constant 0 : i32
        %dma_wait3A_212 = tpu.memref_slice %arg3[%arg0, %arg1, %add3A_208, %dma_wait3A_209, %dma_wait3A_210, %dma_wait3A_211] : memref<2x16x40x2x2x128xi32, #tpu.memory_space<hbm>> -> memref<1x1x1x2x2x128xi32, #tpu.memory_space<hbm>>
        %dma_wait3A_213 = tpu.memref_squeeze %dma_wait3A_212 : memref<1x1x1x2x2x128xi32, #tpu.memory_space<hbm>> -> memref<2x2x128xi32, #tpu.memory_space<hbm>>
        %dma_wait3A_214 = arith.constant 0 : i32
        %dma_wait3A_215 = arith.constant 0 : i32
        %dma_wait3A_216 = arith.constant 0 : i32
        %dma_wait3A_217 = tpu.memref_slice %arg3[%arg0, %arg1, %add3A_208, %dma_wait3A_214, %dma_wait3A_215, %dma_wait3A_216] : memref<2x16x40x2x2x128xi32, #tpu.memory_space<hbm>> -> memref<1x1x1x2x2x128xi32, #tpu.memory_space<hbm>>
        %dma_wait3A_218 = tpu.memref_squeeze %dma_wait3A_217 : memref<1x1x1x2x2x128xi32, #tpu.memory_space<hbm>> -> memref<2x2x128xi32, #tpu.memory_space<hbm>>
        tpu.wait_dma2 semaphore(%arg15 : memref<!tpu.dma_semaphore, #tpu.memory_space<semaphore_mem>>) src(%dma_wait3A_218 : memref<2x2x128xi32, #tpu.memory_space<hbm>>) dst(%arg7 : memref<2x2x128xi32, #tpu.memory_space<vmem>>)
        %dma_start3A_219 = arith.constant 0 : i32
        %dma_start3A_220 = arith.constant 0 : i32
        %dma_start3A_221 = arith.constant 0 : i32
        %dma_start3A_222 = tpu.memref_slice %arg7[%dma_start3A_219, %dma_start3A_220, %dma_start3A_221] : memref<2x2x128xi32, #tpu.memory_space<vmem>> -> memref<1x1x128xi32, #tpu.memory_space<vmem>>
        %dma_start3A_223 = tpu.memref_squeeze %dma_start3A_222 : memref<1x1x128xi32, #tpu.memory_space<vmem>> -> memref<128xi32, #tpu.memory_space<vmem>>
        %dma_start3A_224 = arith.constant 0 : i32
        %dma_start3A_225 = arith.constant 0 : i32
        %dma_start3A_226 = tpu.memref_slice %arg2[%dma_start3A_224, %dma_start3A_225] : memref<10000x144xf32, #tpu.memory_space<hbm>> -> memref<10000x144xf32, #tpu.memory_space<hbm>>
        tpu.enqueue_indirect_dma source(%dma_start3A_226 : memref<10000x144xf32, #tpu.memory_space<hbm>>) target(%arg8 : memref<128x144xf32, #tpu.memory_space<vmem>>) offsets(%dma_start3A_223 : memref<128xi32, #tpu.memory_space<vmem>>) semaphore(%arg11 : memref<!tpu.dma_semaphore, #tpu.memory_space<semaphore_mem>>)
      } else {
      }
      %dma_wait3A_98 = arith.constant 1 : i32
      %dma_wait3A_99 = arith.constant 0 : i32
      %dma_wait3A_100 = arith.constant 0 : i32
      %dma_wait3A_101 = tpu.memref_slice %arg6[%dma_wait3A_98, %dma_wait3A_99, %dma_wait3A_100] : memref<2x2x128xi32, #tpu.memory_space<vmem>> -> memref<1x1x128xi32, #tpu.memory_space<vmem>>
      %dma_wait3A_102 = tpu.memref_squeeze %dma_wait3A_101 : memref<1x1x128xi32, #tpu.memory_space<vmem>> -> memref<128xi32, #tpu.memory_space<vmem>>
      %dma_wait3A_103 = arith.constant 0 : i32
      %dma_wait3A_104 = arith.constant 0 : i32
      %dma_wait3A_105 = tpu.memref_slice %arg2[%dma_wait3A_103, %dma_wait3A_104] : memref<10000x144xf32, #tpu.memory_space<hbm>> -> memref<10000x144xf32, #tpu.memory_space<hbm>>
      tpu.wait_indirect_dma semaphore(%arg12 : memref<!tpu.dma_semaphore, #tpu.memory_space<semaphore_mem>>) src(%dma_wait3A_105 : memref<10000x144xf32, #tpu.memory_space<hbm>>) dst(%arg9 : memref<128x144xf32, #tpu.memory_space<vmem>>)
      %dma_start3A_106 = arith.constant 1 : i32
      %dma_start3A_107 = arith.constant 1 : i32
      %dma_start3A_108 = arith.constant 0 : i32
      %dma_start3A_109 = tpu.memref_slice %arg6[%dma_start3A_106, %dma_start3A_107, %dma_start3A_108] : memref<2x2x128xi32, #tpu.memory_space<vmem>> -> memref<1x1x128xi32, #tpu.memory_space<vmem>>
      %dma_start3A_110 = tpu.memref_squeeze %dma_start3A_109 : memref<1x1x128xi32, #tpu.memory_space<vmem>> -> memref<128xi32, #tpu.memory_space<vmem>>
      %dma_start3A_111 = arith.constant 0 : i32
      %dma_start3A_112 = arith.constant 0 : i32
      %dma_start3A_113 = tpu.memref_slice %arg10[%dma_start3A_111, %dma_start3A_112] : memref<10240x144xf32, #tpu.memory_space<vmem_shared>> -> memref<10240x144xf32, #tpu.memory_space<vmem_shared>>
      tpu.enqueue_indirect_dma source(%arg9 : memref<128x144xf32, #tpu.memory_space<vmem>>) target(%dma_start3A_113 : memref<10240x144xf32, #tpu.memory_space<vmem_shared>>) offsets(%dma_start3A_110 : memref<128xi32, #tpu.memory_space<vmem>>) semaphore(%arg13 : memref<!tpu.dma_semaphore, #tpu.memory_space<semaphore_mem>>) {add = true}
      %dma_wait3A_114 = arith.constant 1 : i32
      %dma_wait3A_115 = arith.constant 1 : i32
      %dma_wait3A_116 = arith.constant 0 : i32
      %dma_wait3A_117 = tpu.memref_slice %arg6[%dma_wait3A_114, %dma_wait3A_115, %dma_wait3A_116] : memref<2x2x128xi32, #tpu.memory_space<vmem>> -> memref<1x1x128xi32, #tpu.memory_space<vmem>>
      %dma_wait3A_118 = tpu.memref_squeeze %dma_wait3A_117 : memref<1x1x128xi32, #tpu.memory_space<vmem>> -> memref<128xi32, #tpu.memory_space<vmem>>
      %dma_wait3A_119 = arith.constant 0 : i32
      %dma_wait3A_120 = arith.constant 0 : i32
      %dma_wait3A_121 = tpu.memref_slice %arg10[%dma_wait3A_119, %dma_wait3A_120] : memref<10240x144xf32, #tpu.memory_space<vmem_shared>> -> memref<10240x144xf32, #tpu.memory_space<vmem_shared>>
      tpu.wait_indirect_dma semaphore(%arg13 : memref<!tpu.dma_semaphore, #tpu.memory_space<semaphore_mem>>) src(%arg9 : memref<128x144xf32, #tpu.memory_space<vmem>>) dst(%dma_wait3A_121 : memref<10240x144xf32, #tpu.memory_space<vmem_shared>>)
      %add3A_122 = arith.constant 1 : i32
      %add3A_123 = arith.addi %mul3A_70, %add3A_122 : i32
      %lt3A_124 = arith.constant 40 : i32
      %lt3A_125 = arith.cmpi slt, %add3A_123, %lt3A_124 : i32
      %convert_element_type3A_126 = arith.extui %lt3A_125 : i1 to i32
      %cond3A_127 = arith.constant 0 : i32
      %cond3A_128 = arith.cmpi ne, %convert_element_type3A_126, %cond3A_127 : i32
      scf.if %cond3A_128 {
        %dma_start3A_207 = arith.constant 1 : i32
        %dma_start3A_208 = arith.constant 0 : i32
        %dma_start3A_209 = arith.constant 0 : i32
        %dma_start3A_210 = tpu.memref_slice %arg7[%dma_start3A_207, %dma_start3A_208, %dma_start3A_209] : memref<2x2x128xi32, #tpu.memory_space<vmem>> -> memref<1x1x128xi32, #tpu.memory_space<vmem>>
        %dma_start3A_211 = tpu.memref_squeeze %dma_start3A_210 : memref<1x1x128xi32, #tpu.memory_space<vmem>> -> memref<128xi32, #tpu.memory_space<vmem>>
        %dma_start3A_212 = arith.constant 0 : i32
        %dma_start3A_213 = arith.constant 0 : i32
        %dma_start3A_214 = tpu.memref_slice %arg2[%dma_start3A_212, %dma_start3A_213] : memref<10000x144xf32, #tpu.memory_space<hbm>> -> memref<10000x144xf32, #tpu.memory_space<hbm>>
        tpu.enqueue_indirect_dma source(%dma_start3A_214 : memref<10000x144xf32, #tpu.memory_space<hbm>>) target(%arg9 : memref<128x144xf32, #tpu.memory_space<vmem>>) offsets(%dma_start3A_211 : memref<128xi32, #tpu.memory_space<vmem>>) semaphore(%arg12 : memref<!tpu.dma_semaphore, #tpu.memory_space<semaphore_mem>>)
      } else {
      }
      %add3A_129 = arith.constant 2 : i32
      %add3A_130 = arith.addi %mul3A_70, %add3A_129 : i32
      %lt3A_131 = arith.constant 40 : i32
      %lt3A_132 = arith.cmpi slt, %add3A_130, %lt3A_131 : i32
      %convert_element_type3A_133 = arith.extui %lt3A_132 : i1 to i32
      %cond3A_134 = arith.constant 0 : i32
      %cond3A_135 = arith.cmpi ne, %convert_element_type3A_133, %cond3A_134 : i32
      scf.if %cond3A_135 {
        %add3A_207 = arith.constant 2 : i32
        %add3A_208 = arith.addi %mul3A_70, %add3A_207 : i32
        %dma_start3A_209 = arith.constant 0 : i32
        %dma_start3A_210 = arith.constant 0 : i32
        %dma_start3A_211 = arith.constant 0 : i32
        %dma_start3A_212 = tpu.memref_slice %arg3[%arg0, %arg1, %add3A_208, %dma_start3A_209, %dma_start3A_210, %dma_start3A_211] : memref<2x16x40x2x2x128xi32, #tpu.memory_space<hbm>> -> memref<1x1x1x2x2x128xi32, #tpu.memory_space<hbm>>
        %dma_start3A_213 = tpu.memref_squeeze %dma_start3A_212 : memref<1x1x1x2x2x128xi32, #tpu.memory_space<hbm>> -> memref<2x2x128xi32, #tpu.memory_space<hbm>>
        %dma_start3A_214 = arith.constant 0 : i32
        %dma_start3A_215 = arith.constant 0 : i32
        %dma_start3A_216 = arith.constant 0 : i32
        %dma_start3A_217 = tpu.memref_slice %arg3[%arg0, %arg1, %add3A_208, %dma_start3A_214, %dma_start3A_215, %dma_start3A_216] : memref<2x16x40x2x2x128xi32, #tpu.memory_space<hbm>> -> memref<1x1x1x2x2x128xi32, #tpu.memory_space<hbm>>
        %dma_start3A_218 = tpu.memref_squeeze %dma_start3A_217 : memref<1x1x1x2x2x128xi32, #tpu.memory_space<hbm>> -> memref<2x2x128xi32, #tpu.memory_space<hbm>>
        tpu.enqueue_dma source(%dma_start3A_218 : memref<2x2x128xi32, #tpu.memory_space<hbm>>) target(%arg6 : memref<2x2x128xi32, #tpu.memory_space<vmem>>) target_semaphore(%arg14 : memref<!tpu.dma_semaphore, #tpu.memory_space<semaphore_mem>>)
      } else {
      }
      %add3A_136 = arith.constant 1 : i32
      %add3A_137 = arith.addi %mul3A_70, %add3A_136 : i32
      %dma_wait3A_138 = arith.constant 0 : i32
      %dma_wait3A_139 = arith.constant 0 : i32
      %dma_wait3A_140 = arith.constant 0 : i32
      %dma_wait3A_141 = tpu.memref_slice %arg7[%dma_wait3A_138, %dma_wait3A_139, %dma_wait3A_140] : memref<2x2x128xi32, #tpu.memory_space<vmem>> -> memref<1x1x128xi32, #tpu.memory_space<vmem>>
      %dma_wait3A_142 = tpu.memref_squeeze %dma_wait3A_141 : memref<1x1x128xi32, #tpu.memory_space<vmem>> -> memref<128xi32, #tpu.memory_space<vmem>>
      %dma_wait3A_143 = arith.constant 0 : i32
      %dma_wait3A_144 = arith.constant 0 : i32
      %dma_wait3A_145 = tpu.memref_slice %arg2[%dma_wait3A_143, %dma_wait3A_144] : memref<10000x144xf32, #tpu.memory_space<hbm>> -> memref<10000x144xf32, #tpu.memory_space<hbm>>
      tpu.wait_indirect_dma semaphore(%arg11 : memref<!tpu.dma_semaphore, #tpu.memory_space<semaphore_mem>>) src(%dma_wait3A_145 : memref<10000x144xf32, #tpu.memory_space<hbm>>) dst(%arg8 : memref<128x144xf32, #tpu.memory_space<vmem>>)
      %dma_start3A_146 = arith.constant 0 : i32
      %dma_start3A_147 = arith.constant 1 : i32
      %dma_start3A_148 = arith.constant 0 : i32
      %dma_start3A_149 = tpu.memref_slice %arg7[%dma_start3A_146, %dma_start3A_147, %dma_start3A_148] : memref<2x2x128xi32, #tpu.memory_space<vmem>> -> memref<1x1x128xi32, #tpu.memory_space<vmem>>
      %dma_start3A_150 = tpu.memref_squeeze %dma_start3A_149 : memref<1x1x128xi32, #tpu.memory_space<vmem>> -> memref<128xi32, #tpu.memory_space<vmem>>
      %dma_start3A_151 = arith.constant 0 : i32
      %dma_start3A_152 = arith.constant 0 : i32
      %dma_start3A_153 = tpu.memref_slice %arg10[%dma_start3A_151, %dma_start3A_152] : memref<10240x144xf32, #tpu.memory_space<vmem_shared>> -> memref<10240x144xf32, #tpu.memory_space<vmem_shared>>
      tpu.enqueue_indirect_dma source(%arg8 : memref<128x144xf32, #tpu.memory_space<vmem>>) target(%dma_start3A_153 : memref<10240x144xf32, #tpu.memory_space<vmem_shared>>) offsets(%dma_start3A_150 : memref<128xi32, #tpu.memory_space<vmem>>) semaphore(%arg13 : memref<!tpu.dma_semaphore, #tpu.memory_space<semaphore_mem>>) {add = true}
      %dma_wait3A_154 = arith.constant 0 : i32
      %dma_wait3A_155 = arith.constant 1 : i32
      %dma_wait3A_156 = arith.constant 0 : i32
      %dma_wait3A_157 = tpu.memref_slice %arg7[%dma_wait3A_154, %dma_wait3A_155, %dma_wait3A_156] : memref<2x2x128xi32, #tpu.memory_space<vmem>> -> memref<1x1x128xi32, #tpu.memory_space<vmem>>
      %dma_wait3A_158 = tpu.memref_squeeze %dma_wait3A_157 : memref<1x1x128xi32, #tpu.memory_space<vmem>> -> memref<128xi32, #tpu.memory_space<vmem>>
      %dma_wait3A_159 = arith.constant 0 : i32
      %dma_wait3A_160 = arith.constant 0 : i32
      %dma_wait3A_161 = tpu.memref_slice %arg10[%dma_wait3A_159, %dma_wait3A_160] : memref<10240x144xf32, #tpu.memory_space<vmem_shared>> -> memref<10240x144xf32, #tpu.memory_space<vmem_shared>>
      tpu.wait_indirect_dma semaphore(%arg13 : memref<!tpu.dma_semaphore, #tpu.memory_space<semaphore_mem>>) src(%arg8 : memref<128x144xf32, #tpu.memory_space<vmem>>) dst(%dma_wait3A_161 : memref<10240x144xf32, #tpu.memory_space<vmem_shared>>)
      %add3A_162 = arith.constant 1 : i32
      %add3A_163 = arith.addi %add3A_137, %add3A_162 : i32
      %lt3A_164 = arith.constant 40 : i32
      %lt3A_165 = arith.cmpi slt, %add3A_163, %lt3A_164 : i32
      %convert_element_type3A_166 = arith.extui %lt3A_165 : i1 to i32
      %cond3A_167 = arith.constant 0 : i32
      %cond3A_168 = arith.cmpi ne, %convert_element_type3A_166, %cond3A_167 : i32
      scf.if %cond3A_168 {
        %add3A_207 = arith.constant 1 : i32
        %add3A_208 = arith.addi %add3A_137, %add3A_207 : i32
        %dma_wait3A_209 = arith.constant 0 : i32
        %dma_wait3A_210 = arith.constant 0 : i32
        %dma_wait3A_211 = arith.constant 0 : i32
        %dma_wait3A_212 = tpu.memref_slice %arg3[%arg0, %arg1, %add3A_208, %dma_wait3A_209, %dma_wait3A_210, %dma_wait3A_211] : memref<2x16x40x2x2x128xi32, #tpu.memory_space<hbm>> -> memref<1x1x1x2x2x128xi32, #tpu.memory_space<hbm>>
        %dma_wait3A_213 = tpu.memref_squeeze %dma_wait3A_212 : memref<1x1x1x2x2x128xi32, #tpu.memory_space<hbm>> -> memref<2x2x128xi32, #tpu.memory_space<hbm>>
        %dma_wait3A_214 = arith.constant 0 : i32
        %dma_wait3A_215 = arith.constant 0 : i32
        %dma_wait3A_216 = arith.constant 0 : i32
        %dma_wait3A_217 = tpu.memref_slice %arg3[%arg0, %arg1, %add3A_208, %dma_wait3A_214, %dma_wait3A_215, %dma_wait3A_216] : memref<2x16x40x2x2x128xi32, #tpu.memory_space<hbm>> -> memref<1x1x1x2x2x128xi32, #tpu.memory_space<hbm>>
        %dma_wait3A_218 = tpu.memref_squeeze %dma_wait3A_217 : memref<1x1x1x2x2x128xi32, #tpu.memory_space<hbm>> -> memref<2x2x128xi32, #tpu.memory_space<hbm>>
        tpu.wait_dma2 semaphore(%arg14 : memref<!tpu.dma_semaphore, #tpu.memory_space<semaphore_mem>>) src(%dma_wait3A_218 : memref<2x2x128xi32, #tpu.memory_space<hbm>>) dst(%arg6 : memref<2x2x128xi32, #tpu.memory_space<vmem>>)
        %dma_start3A_219 = arith.constant 0 : i32
        %dma_start3A_220 = arith.constant 0 : i32
        %dma_start3A_221 = arith.constant 0 : i32
        %dma_start3A_222 = tpu.memref_slice %arg6[%dma_start3A_219, %dma_start3A_220, %dma_start3A_221] : memref<2x2x128xi32, #tpu.memory_space<vmem>> -> memref<1x1x128xi32, #tpu.memory_space<vmem>>
        %dma_start3A_223 = tpu.memref_squeeze %dma_start3A_222 : memref<1x1x128xi32, #tpu.memory_space<vmem>> -> memref<128xi32, #tpu.memory_space<vmem>>
        %dma_start3A_224 = arith.constant 0 : i32
        %dma_start3A_225 = arith.constant 0 : i32
        %dma_start3A_226 = tpu.memref_slice %arg2[%dma_start3A_224, %dma_start3A_225] : memref<10000x144xf32, #tpu.memory_space<hbm>> -> memref<10000x144xf32, #tpu.memory_space<hbm>>
        tpu.enqueue_indirect_dma source(%dma_start3A_226 : memref<10000x144xf32, #tpu.memory_space<hbm>>) target(%arg8 : memref<128x144xf32, #tpu.memory_space<vmem>>) offsets(%dma_start3A_223 : memref<128xi32, #tpu.memory_space<vmem>>) semaphore(%arg11 : memref<!tpu.dma_semaphore, #tpu.memory_space<semaphore_mem>>)
      } else {
      }
      %dma_wait3A_169 = arith.constant 1 : i32
      %dma_wait3A_170 = arith.constant 0 : i32
      %dma_wait3A_171 = arith.constant 0 : i32
      %dma_wait3A_172 = tpu.memref_slice %arg7[%dma_wait3A_169, %dma_wait3A_170, %dma_wait3A_171] : memref<2x2x128xi32, #tpu.memory_space<vmem>> -> memref<1x1x128xi32, #tpu.memory_space<vmem>>
      %dma_wait3A_173 = tpu.memref_squeeze %dma_wait3A_172 : memref<1x1x128xi32, #tpu.memory_space<vmem>> -> memref<128xi32, #tpu.memory_space<vmem>>
      %dma_wait3A_174 = arith.constant 0 : i32
      %dma_wait3A_175 = arith.constant 0 : i32
      %dma_wait3A_176 = tpu.memref_slice %arg2[%dma_wait3A_174, %dma_wait3A_175] : memref<10000x144xf32, #tpu.memory_space<hbm>> -> memref<10000x144xf32, #tpu.memory_space<hbm>>
      tpu.wait_indirect_dma semaphore(%arg12 : memref<!tpu.dma_semaphore, #tpu.memory_space<semaphore_mem>>) src(%dma_wait3A_176 : memref<10000x144xf32, #tpu.memory_space<hbm>>) dst(%arg9 : memref<128x144xf32, #tpu.memory_space<vmem>>)
      %dma_start3A_177 = arith.constant 1 : i32
      %dma_start3A_178 = arith.constant 1 : i32
      %dma_start3A_179 = arith.constant 0 : i32
      %dma_start3A_180 = tpu.memref_slice %arg7[%dma_start3A_177, %dma_start3A_178, %dma_start3A_179] : memref<2x2x128xi32, #tpu.memory_space<vmem>> -> memref<1x1x128xi32, #tpu.memory_space<vmem>>
      %dma_start3A_181 = tpu.memref_squeeze %dma_start3A_180 : memref<1x1x128xi32, #tpu.memory_space<vmem>> -> memref<128xi32, #tpu.memory_space<vmem>>
      %dma_start3A_182 = arith.constant 0 : i32
      %dma_start3A_183 = arith.constant 0 : i32
      %dma_start3A_184 = tpu.memref_slice %arg10[%dma_start3A_182, %dma_start3A_183] : memref<10240x144xf32, #tpu.memory_space<vmem_shared>> -> memref<10240x144xf32, #tpu.memory_space<vmem_shared>>
      tpu.enqueue_indirect_dma source(%arg9 : memref<128x144xf32, #tpu.memory_space<vmem>>) target(%dma_start3A_184 : memref<10240x144xf32, #tpu.memory_space<vmem_shared>>) offsets(%dma_start3A_181 : memref<128xi32, #tpu.memory_space<vmem>>) semaphore(%arg13 : memref<!tpu.dma_semaphore, #tpu.memory_space<semaphore_mem>>) {add = true}
      %dma_wait3A_185 = arith.constant 1 : i32
      %dma_wait3A_186 = arith.constant 1 : i32
      %dma_wait3A_187 = arith.constant 0 : i32
      %dma_wait3A_188 = tpu.memref_slice %arg7[%dma_wait3A_185, %dma_wait3A_186, %dma_wait3A_187] : memref<2x2x128xi32, #tpu.memory_space<vmem>> -> memref<1x1x128xi32, #tpu.memory_space<vmem>>
      %dma_wait3A_189 = tpu.memref_squeeze %dma_wait3A_188 : memref<1x1x128xi32, #tpu.memory_space<vmem>> -> memref<128xi32, #tpu.memory_space<vmem>>
      %dma_wait3A_190 = arith.constant 0 : i32
      %dma_wait3A_191 = arith.constant 0 : i32
      %dma_wait3A_192 = tpu.memref_slice %arg10[%dma_wait3A_190, %dma_wait3A_191] : memref<10240x144xf32, #tpu.memory_space<vmem_shared>> -> memref<10240x144xf32, #tpu.memory_space<vmem_shared>>
      tpu.wait_indirect_dma semaphore(%arg13 : memref<!tpu.dma_semaphore, #tpu.memory_space<semaphore_mem>>) src(%arg9 : memref<128x144xf32, #tpu.memory_space<vmem>>) dst(%dma_wait3A_192 : memref<10240x144xf32, #tpu.memory_space<vmem_shared>>)
      %add3A_193 = arith.constant 1 : i32
      %add3A_194 = arith.addi %add3A_137, %add3A_193 : i32
      %lt3A_195 = arith.constant 40 : i32
      %lt3A_196 = arith.cmpi slt, %add3A_194, %lt3A_195 : i32
      %convert_element_type3A_197 = arith.extui %lt3A_196 : i1 to i32
      %cond3A_198 = arith.constant 0 : i32
      %cond3A_199 = arith.cmpi ne, %convert_element_type3A_197, %cond3A_198 : i32
      scf.if %cond3A_199 {
        %dma_start3A_207 = arith.constant 1 : i32
        %dma_start3A_208 = arith.constant 0 : i32
        %dma_start3A_209 = arith.constant 0 : i32
        %dma_start3A_210 = tpu.memref_slice %arg6[%dma_start3A_207, %dma_start3A_208, %dma_start3A_209] : memref<2x2x128xi32, #tpu.memory_space<vmem>> -> memref<1x1x128xi32, #tpu.memory_space<vmem>>
        %dma_start3A_211 = tpu.memref_squeeze %dma_start3A_210 : memref<1x1x128xi32, #tpu.memory_space<vmem>> -> memref<128xi32, #tpu.memory_space<vmem>>
        %dma_start3A_212 = arith.constant 0 : i32
        %dma_start3A_213 = arith.constant 0 : i32
        %dma_start3A_214 = tpu.memref_slice %arg2[%dma_start3A_212, %dma_start3A_213] : memref<10000x144xf32, #tpu.memory_space<hbm>> -> memref<10000x144xf32, #tpu.memory_space<hbm>>
        tpu.enqueue_indirect_dma source(%dma_start3A_214 : memref<10000x144xf32, #tpu.memory_space<hbm>>) target(%arg9 : memref<128x144xf32, #tpu.memory_space<vmem>>) offsets(%dma_start3A_211 : memref<128xi32, #tpu.memory_space<vmem>>) semaphore(%arg12 : memref<!tpu.dma_semaphore, #tpu.memory_space<semaphore_mem>>)
      } else {
      }
      %add3A_200 = arith.constant 2 : i32
      %add3A_201 = arith.addi %add3A_137, %add3A_200 : i32
      %lt3A_202 = arith.constant 40 : i32
      %lt3A_203 = arith.cmpi slt, %add3A_201, %lt3A_202 : i32
      %convert_element_type3A_204 = arith.extui %lt3A_203 : i1 to i32
      %cond3A_205 = arith.constant 0 : i32
      %cond3A_206 = arith.cmpi ne, %convert_element_type3A_204, %cond3A_205 : i32
      scf.if %cond3A_206 {
        %add3A_207 = arith.constant 2 : i32
        %add3A_208 = arith.addi %add3A_137, %add3A_207 : i32
        %dma_start3A_209 = arith.constant 0 : i32
        %dma_start3A_210 = arith.constant 0 : i32
        %dma_start3A_211 = arith.constant 0 : i32
        %dma_start3A_212 = tpu.memref_slice %arg3[%arg0, %arg1, %add3A_208, %dma_start3A_209, %dma_start3A_210, %dma_start3A_211] : memref<2x16x40x2x2x128xi32, #tpu.memory_space<hbm>> -> memref<1x1x1x2x2x128xi32, #tpu.memory_space<hbm>>
        %dma_start3A_213 = tpu.memref_squeeze %dma_start3A_212 : memref<1x1x1x2x2x128xi32, #tpu.memory_space<hbm>> -> memref<2x2x128xi32, #tpu.memory_space<hbm>>
        %dma_start3A_214 = arith.constant 0 : i32
        %dma_start3A_215 = arith.constant 0 : i32
        %dma_start3A_216 = arith.constant 0 : i32
        %dma_start3A_217 = tpu.memref_slice %arg3[%arg0, %arg1, %add3A_208, %dma_start3A_214, %dma_start3A_215, %dma_start3A_216] : memref<2x16x40x2x2x128xi32, #tpu.memory_space<hbm>> -> memref<1x1x1x2x2x128xi32, #tpu.memory_space<hbm>>
        %dma_start3A_218 = tpu.memref_squeeze %dma_start3A_217 : memref<1x1x1x2x2x128xi32, #tpu.memory_space<hbm>> -> memref<2x2x128xi32, #tpu.memory_space<hbm>>
        tpu.enqueue_dma source(%dma_start3A_218 : memref<2x2x128xi32, #tpu.memory_space<hbm>>) target(%arg7 : memref<2x2x128xi32, #tpu.memory_space<vmem>>) target_semaphore(%arg15 : memref<!tpu.dma_semaphore, #tpu.memory_space<semaphore_mem>>)
      } else {
      }
    }
    %scan3A_56 = arith.constant 20 : i32
    %barrier3A_57 = arith.constant 0 : index
    tpu.barrier barrier_id(%barrier3A_57)
    %dma_start3A_58 = arith.constant 0 : i32
    %dma_start3A_59 = tpu.memref_slice %arg5[%arg0, %mul3A_0, %dma_start3A_58] : memref<2x10240x144xf32, #tpu.memory_space<hbm>> -> memref<1x640x144xf32, #tpu.memory_space<hbm>>
    %dma_start3A_60 = tpu.memref_squeeze %dma_start3A_59 : memref<1x640x144xf32, #tpu.memory_space<hbm>> -> memref<640x144xf32, #tpu.memory_space<hbm>>
    %dma_start3A_61 = arith.constant 0 : i32
    %dma_start3A_62 = tpu.memref_slice %arg10[%mul3A_0, %dma_start3A_61] : memref<10240x144xf32, #tpu.memory_space<vmem_shared>> -> memref<640x144xf32, #tpu.memory_space<vmem_shared>>
    tpu.enqueue_dma source(%dma_start3A_62 : memref<640x144xf32, #tpu.memory_space<vmem_shared>>) target(%dma_start3A_60 : memref<640x144xf32, #tpu.memory_space<hbm>>) target_semaphore(%arg16 : memref<!tpu.dma_semaphore, #tpu.memory_space<semaphore_mem>>)
    %dma_wait3A_63 = arith.constant 0 : i32
    %dma_wait3A_64 = tpu.memref_slice %arg5[%arg0, %mul3A_0, %dma_wait3A_63] : memref<2x10240x144xf32, #tpu.memory_space<hbm>> -> memref<1x640x144xf32, #tpu.memory_space<hbm>>
    %dma_wait3A_65 = tpu.memref_squeeze %dma_wait3A_64 : memref<1x640x144xf32, #tpu.memory_space<hbm>> -> memref<640x144xf32, #tpu.memory_space<hbm>>
    %dma_wait3A_66 = arith.constant 0 : i32
    %dma_wait3A_67 = tpu.memref_slice %arg10[%mul3A_0, %dma_wait3A_66] : memref<10240x144xf32, #tpu.memory_space<vmem_shared>> -> memref<640x144xf32, #tpu.memory_space<vmem_shared>>
    tpu.wait_dma2 semaphore(%arg16 : memref<!tpu.dma_semaphore, #tpu.memory_space<semaphore_mem>>) src(%dma_wait3A_67 : memref<640x144xf32, #tpu.memory_space<vmem_shared>>) dst(%dma_wait3A_65 : memref<640x144xf32, #tpu.memory_space<hbm>>)
    return
  }
}

module attributes {stable_mosaic.version = 14 : i64} {
  func.func @body(%arg0: i32, %arg1: memref<1024x144xf32, #tpu.memory_space<vmem>>, %arg2: memref<1024x144xf32, #tpu.memory_space<vmem>>, %arg3: memref<128x128xf32, #tpu.memory_space<vmem>>, %arg4: memref<1x128xf32, #tpu.memory_space<vmem>>, %arg5: memref<1024x128xf32, #tpu.memory_space<vmem>>) attributes {dimension_semantics = [#tpu.dimension_semantics<arbitrary>], iteration_bounds = array<i64: 10>, scalar_prefetch = 0 : i64, scratch_operands = 0 : i64, tpu.core_type = #tpu.core_type<tc>, window_params = [{transform_indices = @transform_0, window_bounds = array<i64: 1024, 144>}, {transform_indices = @transform_1, window_bounds = array<i64: 1024, 144>}, {pipeline_mode = #tpu.pipeline_mode<synchronous>, transform_indices = @transform_2, window_bounds = array<i64: 128, 128>}, {pipeline_mode = #tpu.pipeline_mode<synchronous>, transform_indices = @transform_3, window_bounds = array<i64: 1, 128>}, {transform_indices = @transform_4, window_bounds = array<i64: 1024, 128>}]} {
    %get3A = arith.constant 0 : index
    %get3A_0 = arith.constant 0 : index
    %get3A_1 = vector.load %arg1[%get3A, %get3A_0] : memref<1024x144xf32, #tpu.memory_space<vmem>>, vector<1024x144xf32>
    %get3A_2 = arith.constant 0 : index
    %get3A_3 = arith.constant 0 : index
    %get3A_4 = vector.load %arg2[%get3A_2, %get3A_3] : memref<1024x144xf32, #tpu.memory_space<vmem>>, vector<1024x144xf32>
    %add3A = arith.addf %get3A_1, %get3A_4 : vector<1024x144xf32>
    %slice3A = vector.extract_strided_slice %add3A {offsets = [0, 0], sizes = [1024, 128], strides = [1, 1]} : vector<1024x144xf32> to vector<1024x128xf32>
    %get3A_5 = arith.constant 0 : index
    %get3A_6 = arith.constant 0 : index
    %get3A_7 = vector.load %arg3[%get3A_5, %get3A_6] : memref<128x128xf32, #tpu.memory_space<vmem>>, vector<128x128xf32>
    %dot_general3A = arith.constant dense<0.000000e+00> : vector<1024x128xf32>
    %dot_general3A_8 = tpu.matmul %slice3A, %get3A_7, %dot_general3A {dimension_numbers = #tpu.dot_dimension_numbers<[1], [1], [0], [0], [0, 0, 1, 0], [], []>, transpose_lhs_hint = false} : vector<1024x128xf32>, vector<128x128xf32>, vector<1024x128xf32> -> vector<1024x128xf32>
    %slice3A_9 = vector.extract_strided_slice %add3A {offsets = [0, 128], sizes = [1024, 1], strides = [1, 1]} : vector<1024x144xf32> to vector<1024x1xf32>
    %get3A_10 = arith.constant 0 : index
    %get3A_11 = arith.constant 0 : index
    %get3A_12 = vector.load %arg4[%get3A_10, %get3A_11] : memref<1x128xf32, #tpu.memory_space<vmem>>, vector<1x128xf32>
    %mul3A = vector.broadcast %slice3A_9 : vector<1024x1xf32> to vector<1024x128xf32>
    %mul3A_13 = vector.broadcast %get3A_12 : vector<1x128xf32> to vector<1024x128xf32>
    %mul3A_14 = arith.mulf %mul3A, %mul3A_13 : vector<1024x128xf32>
    %add3A_15 = arith.addf %dot_general3A_8, %mul3A_14 : vector<1024x128xf32>
    %swap3A = arith.constant 0 : index
    %swap3A_16 = arith.constant 0 : index
    %swap3A_17 = vector.load %arg5[%swap3A, %swap3A_16] : memref<1024x128xf32, #tpu.memory_space<vmem>>, vector<1024x128xf32>
    tpu.vector_store %arg5[%swap3A, %swap3A_16], %add3A_15 {strides = array<i32>} : memref<1024x128xf32, #tpu.memory_space<vmem>>, vector<1024x128xf32>,
    return
  }
  func.func @transform_0(%arg0: i32) -> (i32, i32) {
    %c0_i32 = arith.constant 0 : i32
    %c0_i32_0 = arith.constant 0 : i32
    return %arg0, %c0_i32 : i32, i32
  }
  func.func @transform_1(%arg0: i32) -> (i32, i32) {
    %c0_i32 = arith.constant 0 : i32
    %c0_i32_0 = arith.constant 0 : i32
    return %arg0, %c0_i32 : i32, i32
  }
  func.func @transform_2(%arg0: i32) -> (i32, i32) {
    %c0_i32 = arith.constant 0 : i32
    %c0_i32_0 = arith.constant 0 : i32
    %c0_i32_1 = arith.constant 0 : i32
    return %c0_i32, %c0_i32_0 : i32, i32
  }
  func.func @transform_3(%arg0: i32) -> (i32, i32) {
    %c0_i32 = arith.constant 0 : i32
    %c0_i32_0 = arith.constant 0 : i32
    %c0_i32_1 = arith.constant 0 : i32
    return %c0_i32, %c0_i32_0 : i32, i32
  }
  func.func @transform_4(%arg0: i32) -> (i32, i32) {
    %c0_i32 = arith.constant 0 : i32
    %c0_i32_0 = arith.constant 0 : i32
    return %arg0, %c0_i32 : i32, i32
  }
}

</mosaic_0001>

<sc_bundles>
// kernel: kernel.4.cloned.1.call-start
scs
__scs_entry_jumppad:
0x0: {  	(pc) =	sbr.rel $0x88, $3  }
0x1: {  	(tag) =	ssettag $0x0;
	lr =	simm.s32 $0x1  }
0x2: {  	[smem:$0x3F9D] =	sst lr;
	_ =	strace $0xD0000000  }
0x3: {  	_ = 	snop  }
0x4: {  	_ = 	snop  }
0x5: {  	_ = 	snop  }
0x6: {  	_ = 	snop  }
0x7: {  	_ = 	snop  }
__scs_overlays_trampoline_lowered:
0x8: {  	[smem:$0x3FAC] =	sst s0  }
0x9: {  	[smem:$0x3FAD] =	sst s1  }
0xa: {  	[smem:$0x3FAE] =	sst s2  }
0xb: {  	[smem:$0x3FAF] =	sst s3  }
0xc: {  	[smem:$0x3FB0] =	sst s4  }
0xd: {  	[smem:$0x3FB1] =	sst s5  }
0xe: {  	[smem:$0x3FB2] =	sst s6  }
0xf: {  	[smem:$0x3FB3] =	sst s7  }
0x10: {  	[smem:$0x3FB4] =	sst s8  }
0x11: {  	[smem:$0x3FB5] =	sst s9;
	s0 =	simm.s32 @!p0 $0x0  }
0x12: {  	s1 =	sld [smem:$0x3F9B];
	s0 =	simm.s32 @p0 $0x1  }
0x13: {  	[smem:$0x3FB6] =	sst s0;
	s0 =	simm.s32 @!p1 $0x0  }
0x14: {  	s2 =	sld [smem:$0x3F9A];
	s0 =	simm.s32 @p1 $0x1  }
0x15: {  	[smem:$0x3FB7] =	sst s0;
	s0 =	simm.s32 @!p2 $0x0  }
0x16: {  	s3 =	sld [smem:$0x3FDB];
	s0 =	simm.s32 @p2 $0x1  }
0x17: {  	s4 =	simm.s32 $0x1BF5;
	[smem:$0x3FB9] =	sst s0  }
0x18: {  	s0 =	sld [smem:$0x3F9C];
	_ =	swait.ge [sflag:s4], $0x0  }
0x19: {  	s7 =	sld [smem:$0x3F9D]  }
0x1a: {  	s8 =	sadd.s32 $0xFFFFE003, lr  }
0x1b: {  	s9 =	sadd.s32 $0xFFFFFEF7, lr;
	s5 =	simm.s32 $0xFFFFFFFF;
	p2 =	slt.u32 s8, $0xFFFFF086  }
0x1c: {  	p1 =	slt.u32 s9, $0xF7A;
	s5 =	simm.s32 @!p2 $0x0  }
0x1d: {  	s5 =	simm.s32 @p1 $0x1;
	p0 =	seq.s32 s7, s2  }
0x1e: {  	s7 =	smul.u32 @!p0 $0xF7A, s2;
	p2 =	seq.s32 @!p0 s5, $0x0  }
0x1f: {  	s9 =	smul.u32 $0xF7A, s1;
	s8 =	simm.s32 @!p0 $0x1BF5;
	p2 =	por !p2, p0  }
0x20: {  	[sflag:s8] =	ssyncset.s32 @!p0 $0xFFFFF086;
	s6 =	sadd.s32 @!p0 s3, s7;
	s7 =	simm.s32 @!p0 $0x108  }
0x21: {  	s3 =	sadd.s32 s3, s9;
	s6 =	sadd.s32 @!p0 $0x88, s6;
	s7 =	simm.s32 @p2 $0x1082  }
0x22: {  	[simem:s7], [sflag:s8] =	dma.local @!p0 [hbm:s6], $0xF7A  }
0x23: {  	s9 =	sor.u32 $0xD0000000, s2;
	s6 =	simm.s32 $0x108;
	_ =	swait.ge @!p0 [sflag:s8], $0x0  }
0x24: {  	s3 =	sadd.s32 $0x88, s3;
	s6 =	simm.s32 @!p1 $0x1082;
	[sflag:s4] =	ssyncset.s32 $0xFFFFF086  }
0x25: {  	[simem:s6], [sflag:s4] =	dma.local [hbm:s3], $0xF7A  }
0x26: {  	[smem:$0x3F9D] =	sst s1;
	(tag) =	ssettag s2;
	_ =	strace s9  }
0x27: {  	s1 =	sld [smem:$0x3FAD]  }
0x28: {  	s2 =	sld [smem:$0x3FAE]  }
0x29: {  	s4 =	sld [smem:$0x3FB0]  }
0x2a: {  	p0 =	seq.s32 s5, $0x0;
	s5 =	sld [smem:$0x3FB1]  }
0x2b: {  	s6 =	sld [smem:$0x3FB2]  }
0x2c: {  	s7 =	sld [smem:$0x3FB3]  }
0x2d: {  	s3 =	simm.s32 $0x108;
	s8 =	sld [smem:$0x3FB4]  }
0x2e: {  	s3 =	simm.s32 @!p0 $0x1082;
	s9 =	sld [smem:$0x3FB5]  }
0x2f: {  	lr =	sadd.s32 s0, s3;
	s0 =	sld [smem:$0x3FAC]  }
0x30: {  	s3 =	sld [smem:$0x3FAF]  }
0x31: {  	[smem:$0x3FB8] =	sst s10  }
0x32: {  	s10 =	sld [smem:$0x3FB6];
	_ =	sdelay $0x3  }
0x33: {  	p0 =	seq.s32 s10, $0x1;
	s10 =	sld [smem:$0x3FB8];
	_ =	sdelay $0x3  }
0x34: {  	[smem:$0x3FB8] =	sst s10  }
0x35: {  	s10 =	sld [smem:$0x3FB7];
	_ =	sdelay $0x3  }
0x36: {  	p1 =	seq.s32 s10, $0x1;
	s10 =	sld [smem:$0x3FB8];
	_ =	sdelay $0x3  }
0x37: {  	[smem:$0x3FB8] =	sst s10  }
0x38: {  	s10 =	sld [smem:$0x3FB9]  }
0x39: {  	_ = 	snop;
	(pc) =	sbr.ind lr, $3  }
0x3a: {  	_ = 	snop  }
0x3b: {  	_ = 	snop  }
0x3c: {  	p2 =	seq.s32 s10, $0x1;
	s10 =	sld [smem:$0x3FB8]  }
0x3d: {  	_ =	shalt  }
0x3e: {  	_ =	shalt  }
0x3f: {  	_ =	shalt  }
0x40: {  	_ =	shalt  }
0x41: {  	_ =	shalt  }
0x42: {  	_ =	shalt  }
0x43: {  	_ =	shalt  }
0x44: {  	_ =	shalt  }
0x45: {  	_ =	shalt  }
0x46: {  	_ =	shalt  }
0x47: {  	_ =	shalt  }
0x48: {  	_ =	shalt  }
0x49: {  	_ =	shalt  }
0x4a: {  	_ =	shalt  }
0x4b: {  	_ =	shalt  }
0x4c: {  	_ =	shalt  }
0x4d: {  	_ =	shalt  }
0x4e: {  	_ =	shalt  }
0x4f: {  	_ =	shalt  }
0x50: {  	_ =	shalt  }
0x51: {  	_ =	shalt  }
0x52: {  	_ =	shalt  }
0x53: {  	_ =	shalt  }
0x54: {  	_ =	shalt  }
0x55: {  	_ =	shalt  }
0x56: {  	_ =	shalt  }
0x57: {  	_ =	shalt  }
0x58: {  	_ =	shalt  }
0x59: {  	_ =	shalt  }
0x5a: {  	_ =	shalt  }
0x5b: {  	_ =	shalt  }
0x5c: {  	_ =	shalt  }
0x5d: {  	_ =	shalt  }
0x5e: {  	_ =	shalt  }
0x5f: {  	_ =	shalt  }
0x60: {  	_ =	shalt  }
0x61: {  	_ =	shalt  }
0x62: {  	_ =	shalt  }
0x63: {  	_ =	shalt  }
0x64: {  	_ =	shalt  }
0x65: {  	_ =	shalt  }
0x66: {  	_ =	shalt  }
0x67: {  	_ =	shalt  }
0x68: {  	_ =	shalt  }
0x69: {  	_ =	shalt  }
0x6a: {  	_ =	shalt  }
0x6b: {  	_ =	shalt  }
0x6c: {  	_ =	shalt  }
0x6d: {  	_ =	shalt  }
0x6e: {  	_ =	shalt  }
0x6f: {  	_ =	shalt  }
0x70: {  	_ =	shalt  }
0x71: {  	_ =	shalt  }
0x72: {  	_ =	shalt  }
0x73: {  	_ =	shalt  }
0x74: {  	_ =	shalt  }
0x75: {  	_ =	shalt  }
0x76: {  	_ =	shalt  }
0x77: {  	_ =	shalt  }
0x78: {  	_ =	shalt  }
0x79: {  	_ =	shalt  }
0x7a: {  	_ =	shalt  }
0x7b: {  	_ =	shalt  }
0x7c: {  	_ =	shalt  }
0x7d: {  	_ =	shalt  }
0x7e: {  	_ =	shalt  }
0x7f: {  	_ =	shalt  }
0x80: {  	_ =	shalt  }
0x81: {  	_ =	shalt  }
0x82: {  	_ =	shalt  }
0x83: {  	_ =	shalt  }
0x84: {  	_ =	shalt  }
0x85: {  	_ =	shalt  }
0x86: {  	_ =	shalt  }
0x87: {  	_ =	shalt  }
.Lfunc_end0:
.L_simem_size_0:
called_computation_lowered:
.L_overlay_start_0:
0x88: {  	s2 =	sld [smem:$0x3FD9]  }
0x89: {  	s3 =	sld [smem:$0x3FFE];
	_ =	sdelay $0x1  }
0x8a: {  	s1 =	srdreg.scid  }
0x8b: {  	s0 =	sand.u32 $0x1, s1  }
0x8c: {  	s17 =	sshll.u32 s0, $0xA;
	s2 =	sadd.s32 s3, s2  }
0x8d: {  	s2 =	sadd.s32 s2, s17  }
0x8e: {  	[smem:$0x3FC4] =	sst s2  }
0x8f: {  	_ = 	snop  }
0x90: {  	s2 =	sld [smem:$0x3FD0];
	(tm) =	ssettm $0x1  }
0x91: {  	s18 =	sld [smem:$0x3FFB];
	_ =	sdelay $0x3  }
0x92: {  	_ =	strace s18  }
0x93: {  	s3 =	sld [smem:$0x3FFC];
	_ =	sdelay $0x3  }
0x94: {  	_ =	strace s3  }
0x95: {  	s3 =	sld [smem:$0x3FFD];
	_ =	sdelay $0x3  }
0x96: {  	_ =	strace s3  }
0x97: {  	_ =	strace $0x8FFFFFFF  }
0x98: {  	s19 =	sld [smem:$0x3FDB];
	_ =	sdelay $0x1  }
0x99: {  	s4 =	simm.s32 $_scs_section_size  }
0x9a: {  	s5 =	simm.s32 $_size__tile_overlayer_lowered;
	s6 =	simm.s32 $_tile_overlayer_lowered  }
0x9b: {  	s22 =	simm.s32 $0x1BFF;
	s21 =	sshll.u32 s6, $0x1;
	s3 =	sadd.s32 s4, s19  }
0x9c: {  	s7 =	simm.s32 $0x0;
	s20 =	sshll.u32 s5, $0x1;
	s5 =	sadd.s32 s21, s3  }
0x9d: {  	[timem:s7], [sflag:s22] =	dma.local [hbm:s5], s20  }
0x9e: {  	_ =	swait.ge [sflag:s22], s20  }
0x9f: {  	s4 =	ssub.s32 $0x0, s20;
	[sflag:s22] =	ssyncset.done $0x0  }
0xa0: {  	[sflag:s22] =	ssyncadd.s32 s4;
	_ =	sdelay $0x1  }
0xa1: {  	s23 =	simm.s32 $0x1B8B  }
0xa2: {  	_ =	swait.ge [sflag:s23], $0x1  }
0xa3: {  	[sflag:s23] =	ssyncset.done $0x0  }
0xa4: {  	s25 =	simm.s32 $0x1B8E;
	s24 =	sld [smem:$0x3FFE];
	[sflag:s23] =	ssyncadd.s32 $0xFFFFFFFF  }
0xa5: {  	s26 =	simm.s32 $execute0_lowered;
	[smem:$0x3FD2] =	sst s25  }
0xa6: {  	s5 =	sshll.u32 s26, $0x1;
	_ =	strace $0x80000046;
	[dreg:$0x1] =	wrdreg $0xFFFFFFFF  }
0xa7: {  	s28 =	simm.s32 $_size_execute0_lowered;
	s3 =	sadd.s32 s3, s5;
	[dreg:$0x0] =	wrdreg $0x0  }
0xa8: {  	s5 =	sshll.u32 s28, $0x1;
	[dreg:$0x2] =	wrdreg s3  }
0xa9: {  	[dreg:$0x3] =	wrdreg s5  }
0xaa: {  	[dreg:$0x4] =	wrdreg $0xC0  }
0xab: {  	_ =	task [dreg:s7], $0x5FFFF  }
0xac: {  	[dreg:$0x1] =	wrdreg $0xFFFFFFFF  }
0xad: {  	[dreg:$0x0] =	wrdreg $0x60  }
0xae: {  	[dreg:$0x2] =	wrdreg s24  }
0xaf: {  	[dreg:$0x3] =	wrdreg s2  }
0xb0: {  	[dreg:$0x4] =	wrdreg $0x94000  }
0xb1: {  	[dreg:$0x5] =	wrdreg $0x9  }
0xb2: {  	_ =	task.clear_ibuf [dreg:s7], $0x6FFFF;
	_ =	strace $0x90000046  }
0xb3: {  	s29 =	simm.s32 $0x9;
	_ =	strace $0x80000048  }
0xb4: {  	_ =	swait.ge [sflag:s29], $0x1  }
0xb5: {  	[sflag:s29] =	ssyncadd.s32 $0xFFFFFFFF  }
0xb6: {  	_ =	strace $0x90000048  }
0xb7: {  	_ =	sfence  }
0xb8: {  	s30 =	sld [smem:$0x0];
	_ =	sdelay $0x2  }
0xb9: {  	s31 =	sshll.u32 s1, $0xD;
	s1 =	sshrl.u32 s1, $0x2  }
0xba: {  	s3 =	sand.u32 $0x4000, s31;
	s1 =	sadd.s32 s1, s30  }
0xbb: {  	s0 =	sor.u32 s3, s0;
	s1 =	sshll.u32 s1, $0x11  }
0xbc: {  	s0 =	sor.u32 s1, s0  }
0xbd: {  	s0 =	sadd.s32 $0x8F2B, s0  }
0xbe: {  	[sflag:s0] =	ssyncadd.remote.s32 $0x1  }
0xbf: {  	_ =	sfence.sel $0xFFFF  }
0xc0: {  	[dreg:$0x0] =	wrdreg $0xFFFFFFFF;
	(pc) =	sbr.abs _section_cstart, $3  }
0xc1: {  	[dreg:$0x1] =	wrdreg $0xFFFFFFFF  }
0xc2: {  	_ =	task.clear_ibuf [dreg:s7], $0x2FFFF;
	_ =	strace $0x9FFFFFFF  }
0xc3: {  	(tm) =	ssettm $0x7FFFFFFF  }
tec
execute0_lowered:
.L_overlay_start_1:
0x0: {  	(tag) =	ssettag $0x1  }
0x1: {  	s1 =	rddreg [dreg:$0x0];
	s2 =	srdreg.scid  }
0x2: {  	s0 =	stileid.u32;
	s11 =	rddreg [dreg:$0x1];
	s3 =	simm.s32 $0x0  }
0x3: {  	s13 =	simm.s32 $0x4;
	s14 =	simm.s32 $0x80;
	s15 =	simm.s32 $0x400  }
0x4: {  	s16 =	simm.s32 $0x100;
	s17 =	simm.s32 $0x4C00;
	s20 =	simm.s32 $0x6  }
0x5: {  	s21 =	simm.s32 $0x1;
	s22 =	simm.s32 $0x3;
	s28 =	simm.s32 $0x280  }
0x6: {  	s29 =	simm.s32 $0x380;
	s30 =	simm.s32 $0x0;
	s8 =	smul.u32 $0x16800, s0  }
0x7: {  	s6 =	sand.u32 $0x1, s2;
	s2 =	rddreg [dreg:$0x2];
	s10 =	smul.u32 $0x5000, s0  }
0x8: {  	[smem:$0x7FF] =	sst s3;
	s4 =	sadd.s32 $0x600, s1;
	s7 =	smul.u32 $0x168000, s6  }
0x9: {  	s5 =	sadd.s32 $0x2C600, s1;
	s31 =	sshll.u32 s0, $0x6;
	s9 =	smul.u32 $0x50000, s6  }
0xa: {  	_ =	strace $0x80000047;
	s23 =	ssub.s32 $0x2, s6;
	s18 =	sor.u32 $0x1C06, s31  }
0xb: {  	s25 =	sshrl.u32 s23, $0x1;
	s19 =	sadd.s32 s8, s2;
	s7 =	sadd.s32 s8, s7  }
0xc: {  	s9 =	sadd.s32 s10, s9;
	s10 =	ssub.s32 s23, s25;
	s19 =	sshrl.u32 s19, $0x3  }
0xd: {  	s23 =	simm.s32 $0x5;
	s25 =	simm.s32 $0x180;
	s7 =	sshrl.u32 s7, $0x3  }
0xe: {  	s24 =	sshrl.u32 s9, $0x3;
	s26 =	sor.u32 $0x600, s9;
	s12 =	sor.u32 $0x400, s9  }
0xf: {  	s9 =	smax.u32 s10, $0x1;
	s1 =	sadd.s32 s7, s1;
	s6 =	sadd.s32 s11, s24  }
0x10: {  	s12 =	sshrl.u32 s12, $0x3;
	s24 =	simm.s32 $0x2;
	s7 =	sadd.s32 $0x40, s6  }
0x11: {  	s8 =	sadd.s32 $0x2F400, s1;
	s1 =	sshrl.u32 s26, $0x3;
	s26 =	simm.s32 $0x300  }
0x12: {  	s10 =	sadd.s32 s1, s11;
	s11 =	sadd.s32 s12, s11;
	s12 =	simm.s32 $0x200  }
.LBB2_1:
0x13: {  	[tilespmem:s3], [sflag:$0x4] =	stream.linear.gather [hbm4b:s6+s3], $0x200, $0x38;
	[tilespmem:$0x1FC00] =	vst v63  }
0x14: {  	_ = 	snop  }
0x15: {  	[tilespmem:s12], [sflag:$0x5] =	stream.linear.gather [hbm4b:s7+s3], $0x200, $0x38;
	[tilespmem:$0x1FC00] =	vst v63  }
0x16: {  	_ =	swait.ge [sflag:s13], $0x200  }
0x17: {  	[sflag:s13] =	ssyncset.done $0x0  }
0x18: {  	[sflag:s13] =	ssyncadd.s32 $0xFFFFFE00  }
0x19: {  	[tilespmem:s15], [sflag:$0x1] =	stream.indirect.gather [hbm4b:s4+s14], $0x90, s3, s14, $0xb8;
	[tilespmem:$0x1FC00] =	vst v63  }
0x1a: {  	_ = 	snop  }
0x1b: {  	[tilespmem:s17], [sflag:$0x2] =	stream.indirect.gather [hbm4b:s4+s14], $0x90, s16, s14, $0xb8;
	[tilespmem:$0x1FC00] =	vst v63  }
0x1c: {  	[spmem:s19], [sflag:s18] =	dma.local [hbm:s5], $0x2D00  }
0x1d: {  	_ =	swait.ge [sflag:s20], $0x2D00  }
0x1e: {  	[sflag:s20] =	ssyncset.done $0x0  }
0x1f: {  	[sflag:s20] =	ssyncadd.s32 $0xFFFFD300  }
0x20: {  	[bflag:$0x0] =	sbarrier.arrive $0xFFFF  }
0x21: {  	_ =	swait.ge [sflag:s21], $0x4800  }
0x22: {  	[sflag:s21] =	ssyncset.done $0x0  }
0x23: {  	[sflag:s21] =	ssyncadd.s32 $0xFFFFB800  }
0x24: {  	[spmem:s2] =	stream.indirect.scatter.add.f32 [tilespmem:s15], [sflag:$0x3], $0x90, s14, s14, $0xb8;
	[tilespmem:$0x1FC00] =	vst v63  }
0x25: {  	_ =	swait.ge [sflag:s22], $0x4800  }
0x26: {  	[sflag:s22] =	ssyncset.done $0x0  }
0x27: {  	[sflag:s22] =	ssyncadd.s32 $0xFFFFB800  }
0x28: {  	_ =	swait.ge [sflag:s23], $0x200  }
0x29: {  	[sflag:s23] =	ssyncset.done $0x0  }
0x2a: {  	[sflag:s23] =	ssyncadd.s32 $0xFFFFFE00  }
0x2b: {  	[tilespmem:s15], [sflag:$0x1] =	stream.indirect.gather [hbm4b:s4+s14], $0x90, s12, s14, $0xb8;
	[tilespmem:$0x1FC00] =	vst v63  }
0x2c: {  	_ =	swait.ge [sflag:s24], $0x4800  }
0x2d: {  	[sflag:s24] =	ssyncset.done $0x0  }
0x2e: {  	[sflag:s24] =	ssyncadd.s32 $0xFFFFB800  }
0x2f: {  	[spmem:s2] =	stream.indirect.scatter.add.f32 [tilespmem:s17], [sflag:$0x3], $0x90, s25, s14, $0xb8;
	[tilespmem:$0x1FC00] =	vst v63  }
0x30: {  	_ =	swait.ge [sflag:s22], $0x4800  }
0x31: {  	[sflag:s22] =	ssyncset.done $0x0  }
0x32: {  	[sflag:s22] =	ssyncadd.s32 $0xFFFFB800  }
0x33: {  	[tilespmem:s17], [sflag:$0x2] =	stream.indirect.gather [hbm4b:s4+s14], $0x90, s26, s14, $0xb8;
	[tilespmem:$0x1FC00] =	vst v63  }
0x34: {  	s1 =	sadd.s32 $0x0, s11  }
0x35: {  	[tilespmem:s3], [sflag:$0x4] =	stream.linear.gather [hbm4b:s1+s3], $0x200, $0x38;
	[tilespmem:$0x1FC00] =	vst v63  }
0x36: {  	_ =	swait.ge [sflag:s21], $0x4800  }
0x37: {  	[sflag:s21] =	ssyncset.done $0x0  }
0x38: {  	[sflag:s21] =	ssyncadd.s32 $0xFFFFB800  }
0x39: {  	[spmem:s2] =	stream.indirect.scatter.add.f32 [tilespmem:s15], [sflag:$0x3], $0x90, s28, s14, $0xb8;
	[tilespmem:$0x1FC00] =	vst v63  }
0x3a: {  	_ =	swait.ge [sflag:s22], $0x4800  }
0x3b: {  	[sflag:s22] =	ssyncset.done $0x0  }
0x3c: {  	[sflag:s22] =	ssyncadd.s32 $0xFFFFB800  }
0x3d: {  	_ =	swait.ge [sflag:s13], $0x200  }
0x3e: {  	[sflag:s13] =	ssyncset.done $0x0  }
0x3f: {  	[sflag:s13] =	ssyncadd.s32 $0xFFFFFE00  }
0x40: {  	[tilespmem:s15], [sflag:$0x1] =	stream.indirect.gather [hbm4b:s4+s14], $0x90, s3, s14, $0xb8;
	[tilespmem:$0x1FC00] =	vst v63  }
0x41: {  	_ =	swait.ge [sflag:s24], $0x4800  }
0x42: {  	[sflag:s24] =	ssyncset.done $0x0  }
0x43: {  	[sflag:s24] =	ssyncadd.s32 $0xFFFFB800  }
0x44: {  	[spmem:s2] =	stream.indirect.scatter.add.f32 [tilespmem:s17], [sflag:$0x3], $0x90, s29, s14, $0xb8;
	[tilespmem:$0x1FC00] =	vst v63  }
0x45: {  	_ =	swait.ge [sflag:s22], $0x4800  }
0x46: {  	[sflag:s22] =	ssyncset.done $0x0  }
0x47: {  	s31 =	simm.s32 $0x80;
	s1 =	sadd.s32 $0x0, s10;
	[sflag:s22] =	ssyncadd.s32 $0xFFFFB800  }
0x48: {  	[tilespmem:s17], [sflag:$0x2] =	stream.indirect.gather [hbm4b:s4+s14], $0x90, s16, s14, $0xb8;
	[tilespmem:$0x1FC00] =	vst v63  }
.LBB2_2:
0x49: {  	[tilespmem:s12], [sflag:$0x5] =	stream.linear.gather [hbm4b:s1+s3], $0x200, $0x38;
	[tilespmem:$0x1FC00] =	vst v63  }
0x4a: {  	s1 =	smov.u32 s31  }
0x4b: {  	p0 =	sne.s32 s31, $0x900;
	s31 =	sadd.s32 $0x80, s31;
	_ =	swait.ge [sflag:s21], $0x4800  }
0x4c: {  	[sflag:s21] =	ssyncset.done $0x0  }
0x4d: {  	[sflag:s21] =	ssyncadd.s32 $0xFFFFB800  }
0x4e: {  	[spmem:s2] =	stream.indirect.scatter.add.f32 [tilespmem:s15], [sflag:$0x3], $0x90, s14, s14, $0xb8;
	[tilespmem:$0x1FC00] =	vst v63  }
0x4f: {  	_ =	swait.ge [sflag:s22], $0x4800  }
0x50: {  	[sflag:s22] =	ssyncset.done $0x0  }
0x51: {  	[sflag:s22] =	ssyncadd.s32 $0xFFFFB800  }
0x52: {  	_ =	swait.ge [sflag:s23], $0x200  }
0x53: {  	[sflag:s23] =	ssyncset.done $0x0  }
0x54: {  	[sflag:s23] =	ssyncadd.s32 $0xFFFFFE00  }
0x55: {  	[tilespmem:s15], [sflag:$0x1] =	stream.indirect.gather [hbm4b:s4+s14], $0x90, s12, s14, $0xb8;
	[tilespmem:$0x1FC00] =	vst v63  }
0x56: {  	_ =	swait.ge [sflag:s24], $0x4800  }
0x57: {  	[sflag:s24] =	ssyncset.done $0x0  }
0x58: {  	[sflag:s24] =	ssyncadd.s32 $0xFFFFB800  }
0x59: {  	[spmem:s2] =	stream.indirect.scatter.add.f32 [tilespmem:s17], [sflag:$0x3], $0x90, s25, s14, $0xb8;
	[tilespmem:$0x1FC00] =	vst v63  }
0x5a: {  	_ =	swait.ge [sflag:s22], $0x4800  }
0x5b: {  	[sflag:s22] =	ssyncset.done $0x0  }
0x5c: {  	[sflag:s22] =	ssyncadd.s32 $0xFFFFB800  }
0x5d: {  	[tilespmem:s17], [sflag:$0x2] =	stream.indirect.gather [hbm4b:s4+s14], $0x90, s26, s14, $0xb8;
	[tilespmem:$0x1FC00] =	vst v63  }
0x5e: {  	s0 =	sadd.s32 s1, s11  }
0x5f: {  	[tilespmem:s3], [sflag:$0x4] =	stream.linear.gather [hbm4b:s0+s3], $0x200, $0x38;
	[tilespmem:$0x1FC00] =	vst v63  }
0x60: {  	_ =	swait.ge [sflag:s21], $0x4800  }
0x61: {  	[sflag:s21] =	ssyncset.done $0x0  }
0x62: {  	[sflag:s21] =	ssyncadd.s32 $0xFFFFB800  }
0x63: {  	[spmem:s2] =	stream.indirect.scatter.add.f32 [tilespmem:s15], [sflag:$0x3], $0x90, s28, s14, $0xb8;
	[tilespmem:$0x1FC00] =	vst v63  }
0x64: {  	_ =	swait.ge [sflag:s22], $0x4800  }
0x65: {  	[sflag:s22] =	ssyncset.done $0x0  }
0x66: {  	[sflag:s22] =	ssyncadd.s32 $0xFFFFB800  }
0x67: {  	_ =	swait.ge [sflag:s13], $0x200  }
0x68: {  	[sflag:s13] =	ssyncset.done $0x0  }
0x69: {  	[sflag:s13] =	ssyncadd.s32 $0xFFFFFE00  }
0x6a: {  	[tilespmem:s15], [sflag:$0x1] =	stream.indirect.gather [hbm4b:s4+s14], $0x90, s3, s14, $0xb8;
	[tilespmem:$0x1FC00] =	vst v63  }
0x6b: {  	_ =	swait.ge [sflag:s24], $0x4800  }
0x6c: {  	[sflag:s24] =	ssyncset.done $0x0  }
0x6d: {  	[sflag:s24] =	ssyncadd.s32 $0xFFFFB800  }
0x6e: {  	[spmem:s2] =	stream.indirect.scatter.add.f32 [tilespmem:s17], [sflag:$0x3], $0x90, s29, s14, $0xb8;
	[tilespmem:$0x1FC00] =	vst v63  }
.Ltmp0:
0x6f: {  	_ =	swait.ge [sflag:s22], $0x4800;
	(pc) =	sbr.rel @p0 .LBB2_2-.Ltmp0, $4  }
0x70: {  	[sflag:s22] =	ssyncset.done $0x0  }
0x71: {  	[sflag:s22] =	ssyncadd.s32 $0xFFFFB800  }
0x72: {  	[tilespmem:s17], [sflag:$0x2] =	stream.indirect.gather [hbm4b:s4+s14], $0x90, s16, s14, $0xb8;
	[tilespmem:$0x1FC00] =	vst v63  }
0x73: {  	s1 =	sadd.s32 s1, s10  }
0x74: {  	[tilespmem:s12], [sflag:$0x5] =	stream.linear.gather [hbm4b:s1+s3], $0x200, $0x38;
	[tilespmem:$0x1FC00] =	vst v63  }
0x75: {  	_ =	swait.ge [sflag:s21], $0x4800  }
0x76: {  	[sflag:s21] =	ssyncset.done $0x0  }
0x77: {  	[sflag:s21] =	ssyncadd.s32 $0xFFFFB800  }
0x78: {  	[spmem:s2] =	stream.indirect.scatter.add.f32 [tilespmem:s15], [sflag:$0x3], $0x90, s14, s14, $0xb8;
	[tilespmem:$0x1FC00] =	vst v63  }
0x79: {  	_ =	swait.ge [sflag:s22], $0x4800  }
0x7a: {  	[sflag:s22] =	ssyncset.done $0x0  }
0x7b: {  	[sflag:s22] =	ssyncadd.s32 $0xFFFFB800  }
0x7c: {  	_ =	swait.ge [sflag:s23], $0x200  }
0x7d: {  	[sflag:s23] =	ssyncset.done $0x0  }
0x7e: {  	[sflag:s23] =	ssyncadd.s32 $0xFFFFFE00  }
0x7f: {  	[tilespmem:s15], [sflag:$0x1] =	stream.indirect.gather [hbm4b:s4+s14], $0x90, s12, s14, $0xb8;
	[tilespmem:$0x1FC00] =	vst v63  }
0x80: {  	_ =	swait.ge [sflag:s24], $0x4800  }
0x81: {  	[sflag:s24] =	ssyncset.done $0x0  }
0x82: {  	[sflag:s24] =	ssyncadd.s32 $0xFFFFB800  }
0x83: {  	[spmem:s2] =	stream.indirect.scatter.add.f32 [tilespmem:s17], [sflag:$0x3], $0x90, s25, s14, $0xb8;
	[tilespmem:$0x1FC00] =	vst v63  }
0x84: {  	_ =	swait.ge [sflag:s22], $0x4800  }
0x85: {  	[sflag:s22] =	ssyncset.done $0x0  }
0x86: {  	[sflag:s22] =	ssyncadd.s32 $0xFFFFB800  }
0x87: {  	[tilespmem:s17], [sflag:$0x2] =	stream.indirect.gather [hbm4b:s4+s14], $0x90, s26, s14, $0xb8;
	[tilespmem:$0x1FC00] =	vst v63  }
0x88: {  	_ =	swait.ge [sflag:s21], $0x4800  }
0x89: {  	[sflag:s21] =	ssyncset.done $0x0  }
0x8a: {  	[sflag:s21] =	ssyncadd.s32 $0xFFFFB800  }
0x8b: {  	[spmem:s2] =	stream.indirect.scatter.add.f32 [tilespmem:s15], [sflag:$0x3], $0x90, s28, s14, $0xb8;
	[tilespmem:$0x1FC00] =	vst v63  }
0x8c: {  	_ =	swait.ge [sflag:s22], $0x4800  }
0x8d: {  	[sflag:s22] =	ssyncset.done $0x0  }
0x8e: {  	[sflag:s22] =	ssyncadd.s32 $0xFFFFB800  }
0x8f: {  	_ =	swait.ge [sflag:s24], $0x4800  }
0x90: {  	[sflag:s24] =	ssyncset.done $0x0  }
0x91: {  	[sflag:s24] =	ssyncadd.s32 $0xFFFFB800  }
0x92: {  	[spmem:s2] =	stream.indirect.scatter.add.f32 [tilespmem:s17], [sflag:$0x3], $0x90, s29, s14, $0xb8;
	[tilespmem:$0x1FC00] =	vst v63  }
0x93: {  	_ =	swait.ge [sflag:s22], $0x4800  }
0x94: {  	s30 =	sadd.s32 $0x1, s30;
	[sflag:s22] =	ssyncset.done $0x0  }
0x95: {  	p0 =	sne.s32 s30, s9;
	[sflag:s22] =	ssyncadd.s32 $0xFFFFB800  }
.Ltmp1:
0x96: {  	[bflag:$0x0] =	sbarrier.arrive $0xFFFF;
	(pc) =	sbr.rel @p0 .LBB2_1-.Ltmp1, $4  }
0x97: {  	[hbm:s8], [sflag:s18] =	dma.local [spmem:s19], $0x2D00  }
0x98: {  	_ =	swait.ge [sflag:s20], $0x2D00  }
0x99: {  	[sflag:s20] =	ssyncset.done $0x0  }
0x9a: {  	[sflag:s20] =	ssyncadd.s32 $0xFFFFD300  }
0x9b: {  	_ =	sfence.sel $0x180000  }
0x9c: {  	[bflag:$0x0] =	sbarrier.arrive $0xFFFF  }
0x9d: {  	_ =	strace $0x90000047  }
0x9e: {  	s0 =	stileid.u32;
	[bflag:$0x2] =	sbarrier.arrive $0xFFFF  }
0x9f: {  	p0 =	sne.s32 s0, $0x0;
	s0 =	rddreg [dreg:$0x3]  }
0xa0: {  	s0 =	sadd.s32 @!p0 $0x100000, s0  }
0xa1: {  	[sflag:s0] =	ssyncadd.tile.s32 @!p0 $0x1;
	_ =	shalt  }
.Lfunc_end2:
_tile_overlayer_lowered:
.L_overlay_start_2:
0xa2: {  	(tag) =	ssettag $0x2  }
0xa3: {  	s0 =	rddreg [dreg:$0x0];
	s2 =	stileid.u32  }
0xa4: {  	s1 =	rddreg [dreg:$0x1];
	p0 =	sne.s32 s2, $0x0  }
0xa5: {  	s3 =	rddreg [dreg:$0x2];
	[bflag:$0x3] =	sbarrier.arrive $0xFFFF;
	s2 =	simm.s32 @!p0 $0x1C07  }
0xa6: {  	[timem:s3], [sflag:s2] =	dma.local @!p0 [hbm:s0], s1  }
0xa7: {  	s0 =	simm.s32 @!p0 $0x7  }
0xa8: {  	_ =	swait.ge @!p0 [sflag:s0], s1  }
0xa9: {  	s1 =	ssub.s32 @!p0 $0x0, s1;
	[sflag:s0] =	ssyncset.done @!p0 $0x0  }
0xaa: {  	[sflag:s0] =	ssyncadd.s32 @!p0 s1  }
0xab: {  	[bflag:$0x3] =	sbarrier.arrive $0xFFFF  }
0xac: {  	_ =	shalt  }

</sc_bundles>
